<compile_context>
chip_gen: v7x
topology: tpu7x:2x2x1
jax: 0.10.2.dev20260603
libtpu: 0.0.44.dev20260713+nightly
codegen_flags: <defaults>
</compile_context>

<pallas_src>
import jax
import jax.numpy as jnp
from jax import lax
from jax.experimental import pallas as pl
from jax.experimental.pallas import tpu as pltpu
from jax.experimental.pallas import tpu_sc as plsc

B, C, H, W = 16, 384, 64, 64
D = H * W
R = B * C
NC, NS = 2, 16
NW = NC * NS
RPW = R // NW
CPW = C // NC
CHUNK = 8
NCHUNK = RPW // CHUNK
NPAIR = NCHUNK // 2
L = 16


def _body(x_hbm, perm_hbm, out_hbm, perm_v, idx_v, buf, gs0, gs1, ss0, ss1):
    wid = lax.axis_index("s") * NC + lax.axis_index("c")
    b = wid // 2
    c0 = (wid % 2) * CPW
    base = wid * RPW

    pltpu.sync_copy(perm_hbm, perm_v)
    for j in range(RPW // L):
        idx_v[pl.ds(L * j, L)] = perm_v[pl.ds(c0 + L * j, L)] + b * C

    def gather(k, slot, sem):
        return pltpu.make_async_copy(
            x_hbm.at[idx_v.at[pl.ds(k * CHUNK, CHUNK)]], buf.at[slot], sem
        )

    def scatter(k, slot, sem):
        return pltpu.make_async_copy(
            buf.at[slot], out_hbm.at[pl.ds(base + k * CHUNK, CHUNK)], sem
        )

    gather(0, 0, gs0).start()

    def pair(i, carry):
        k0 = 2 * i
        k1 = k0 + 1
        gather(k0, 0, gs0).wait()

        @pl.when(i > 0)
        def _():
            scatter(k0 - 1, 1, ss1).wait()

        scatter(k0, 0, ss0).start()
        gather(k1, 1, gs1).start()
        gather(k1, 1, gs1).wait()
        scatter(k0, 0, ss0).wait()
        scatter(k1, 1, ss1).start()

        @pl.when(i < NPAIR - 1)
        def _():
            gather(k0 + 2, 0, gs0).start()

        return carry

    lax.fori_loop(0, NPAIR, pair, 0)
    scatter(NCHUNK - 1, 1, ss1).wait()


@jax.jit
def _shuffle(x2d, perm32):
    mesh = plsc.VectorSubcoreMesh(
        core_axis_name="c", subcore_axis_name="s", num_cores=NC, num_subcores=NS
    )
    f = pl.kernel(
        _body,
        out_type=jax.ShapeDtypeStruct((R, D), jnp.float32),
        mesh=mesh,
        scratch_types=[
            pltpu.VMEM((C,), jnp.int32),
            pltpu.VMEM((RPW,), jnp.int32),
            pltpu.VMEM((2, CHUNK, D), jnp.float32),
            pltpu.SemaphoreType.DMA,
            pltpu.SemaphoreType.DMA,
            pltpu.SemaphoreType.DMA,
            pltpu.SemaphoreType.DMA,
        ],
    )
    return f(x2d, perm32)


def kernel(inputs, permutation):
    x2d = inputs.reshape(R, D)
    perm32 = permutation.astype(jnp.int32)
    return _shuffle(x2d, perm32).reshape(B, C, H, W)

# --- scband reference (transcript-rebuilt; emitter-appended) ---
"""Pipeline reference for scband-channels-shuffle-41549513622384 (READ-ONLY COPY).

The authoritative reference and input builder live on the scoring server;
editing this copy changes nothing except your own understanding.
"""

import jax, jax.numpy as jnp
import numpy as np


def setup_inputs(seed: int = 0) -> dict:
    key = jax.random.key(seed)
    x = jax.random.normal(key, (16, 384, 64, 64), dtype=jnp.float32)
    # Fixed random channel permutation created at module init (buffer, not a forward arg)
    rng = np.random.default_rng(0)
    permutation = jnp.asarray(rng.permutation(384), dtype=jnp.int64)
    return {"inputs": x, "permutation": permutation}


def reference(inputs, permutation):
    # ChannelsShuffle: gather channels according to the fixed permutation
    return jnp.take(inputs, permutation, axis=1)

if __name__ == "__main__":
    import jax
    _d = setup_inputs()
    print(jax.jit(kernel)(*tuple(_d.values())))

</pallas_src>

<mosaic_0001>
#map = affine_map<(d0, d1) -> (0, 0)>
#map1 = affine_map<(d0, d1) -> (0)>
module attributes {stable_mosaic.version = 14 : i64} {
  func.func @_body(%arg0: i32, %arg1: i32, %arg2: memref<6144x4096xf32, #tpu.memory_space<hbm>>, %arg3: memref<384xi32, #tpu.memory_space<hbm>>, %arg4: memref<6144x4096xf32, #tpu.memory_space<hbm>>, %arg5: memref<384xi32, #tpu.memory_space<vmem>>, %arg6: memref<192xi32, #tpu.memory_space<vmem>>, %arg7: memref<2x8x4096xf32, #tpu.memory_space<vmem>>, %arg8: memref<!tpu.dma_semaphore, #tpu.memory_space<semaphore_mem>>, %arg9: memref<!tpu.dma_semaphore, #tpu.memory_space<semaphore_mem>>, %arg10: memref<!tpu.dma_semaphore, #tpu.memory_space<semaphore_mem>>, %arg11: memref<!tpu.dma_semaphore, #tpu.memory_space<semaphore_mem>>) attributes {dimension_semantics = [#tpu.dimension_semantics<core_parallel>, #tpu.dimension_semantics<subcore_parallel>], iteration_bounds = array<i64: 2, 16>, scalar_prefetch = 0 : i64, scratch_operands = 7 : i64, tpu.core_type = #tpu.core_type<sc_vector_subcore>, window_params = [{transform_indices = #map}, {transform_indices = #map1}, {transform_indices = #map}]} {
    %mul3A = arith.constant 2 : i32
    %mul3A_0 = arith.muli %arg1, %mul3A : i32
    %add3A = arith.addi %mul3A_0, %arg0 : i32
    %jit3A = arith.constant 2 : i32
    %div3A = arith.divsi %add3A, %jit3A : i32
    %sign3A = arith.constant 0 : i32
    %sign3A_1 = arith.cmpi sgt, %add3A, %sign3A : i32
    %sign3A_2 = arith.extui %sign3A_1 : i1 to i32
    %sign3A_3 = arith.constant 0 : i32
    %sign3A_4 = arith.cmpi slt, %add3A, %sign3A_3 : i32
    %sign3A_5 = arith.extui %sign3A_4 : i1 to i32
    %sign3A_6 = arith.subi %sign3A_2, %sign3A_5 : i32
    %sign3A_7 = arith.constant 0 : i32
    %sign3A_8 = arith.cmpi sgt, %jit3A, %sign3A_7 : i32
    %sign3A_9 = arith.extui %sign3A_8 : i1 to i32
    %sign3A_10 = arith.constant 0 : i32
    %sign3A_11 = arith.cmpi slt, %jit3A, %sign3A_10 : i32
    %sign3A_12 = arith.extui %sign3A_11 : i1 to i32
    %sign3A_13 = arith.subi %sign3A_9, %sign3A_12 : i32
    %ne3A = arith.cmpi ne, %sign3A_6, %sign3A_13 : i32
    %rem3A = arith.remsi %add3A, %jit3A : i32
    %ne3A_14 = arith.constant 0 : i32
    %ne3A_15 = arith.cmpi ne, %rem3A, %ne3A_14 : i32
    %and3A = arith.andi %ne3A, %ne3A_15 : i1
    %sub3A = arith.constant 1 : i32
    %sub3A_16 = arith.subi %div3A, %sub3A : i32
    %select_n3A = arith.select %and3A, %sub3A_16, %div3A : i32
    %jit3A_17 = arith.constant 2 : i32
    %eq3A = arith.constant 0 : i32
    %eq3A_18 = arith.cmpi eq, %jit3A_17, %eq3A : i32
    %jit3A_19 = arith.constant 1 : i32
    %select_n3A_20 = arith.select %eq3A_18, %jit3A_19, %jit3A_17 : i32
    %rem3A_21 = arith.remsi %add3A, %select_n3A_20 : i32
    %ne3A_22 = arith.constant 0 : i32
    %ne3A_23 = arith.cmpi ne, %rem3A_21, %ne3A_22 : i32
    %lt3A = arith.constant 0 : i32
    %lt3A_24 = arith.cmpi slt, %rem3A_21, %lt3A : i32
    %lt3A_25 = arith.constant 0 : i32
    %lt3A_26 = arith.cmpi slt, %select_n3A_20, %lt3A_25 : i32
    %ne3A_27 = arith.xori %lt3A_24, %lt3A_26 : i1
    %and3A_28 = arith.andi %ne3A_27, %ne3A_23 : i1
    %add3A_29 = arith.addi %rem3A_21, %select_n3A_20 : i32
    %select_n3A_30 = arith.select %and3A_28, %add3A_29, %rem3A_21 : i32
    %mul3A_31 = arith.constant 192 : i32
    %mul3A_32 = arith.muli %select_n3A_30, %mul3A_31 : i32
    %mul3A_33 = arith.constant 192 : i32
    %mul3A_34 = arith.muli %add3A, %mul3A_33 : i32
    "tpu.region"() ({
      %run_scoped3A = tpu.sem_alloc : memref<!tpu.dma_semaphore, #tpu.memory_space<semaphore_mem>>
      tpu.enqueue_dma source(%arg3 : memref<384xi32, #tpu.memory_space<hbm>>) target(%arg5 : memref<384xi32, #tpu.memory_space<vmem>>) target_semaphore(%run_scoped3A : memref<!tpu.dma_semaphore, #tpu.memory_space<semaphore_mem>>)
      tpu.wait_dma2 semaphore(%run_scoped3A : memref<!tpu.dma_semaphore, #tpu.memory_space<semaphore_mem>>) src(%arg3 : memref<384xi32, #tpu.memory_space<hbm>>) dst(%arg5 : memref<384xi32, #tpu.memory_space<vmem>>)
      tpu.yield
    }) : () -> ()
    %add3A_35 = arith.constant 0 : i32
    %add3A_36 = arith.addi %mul3A_32, %add3A_35 : i32
    %get3A = arith.index_cast %add3A_36 : i32 to index
    %get3A_37 = tpu.vector_load %arg5[%get3A] {strides = array<i32>} : memref<384xi32, #tpu.memory_space<vmem>>, vector<16xi32>,
    %get3A_38 = vector.shape_cast %get3A_37 : vector<16xi32> to vector<16xi32>
    %mul3A_39 = arith.constant 384 : i32
    %mul3A_40 = arith.muli %select_n3A, %mul3A_39 : i32
    %add3A_41 = vector.broadcast %mul3A_40 : i32 to vector<16xi32>
    %add3A_42 = arith.addi %get3A_38, %add3A_41 : vector<16xi32>
    %swap3A = arith.constant 0 : index
    %swap3A_43 = tpu.vector_load %arg6[%swap3A] {strides = array<i32>} : memref<192xi32, #tpu.memory_space<vmem>>, vector<16xi32>,
    %swap3A_44 = vector.shape_cast %swap3A_43 : vector<16xi32> to vector<16xi32>
    %swap3A_45 = vector.shape_cast %add3A_42 : vector<16xi32> to vector<16xi32>
    tpu.vector_store %arg6[%swap3A], %swap3A_45 {strides = array<i32>} : memref<192xi32, #tpu.memory_space<vmem>>, vector<16xi32>,
    %add3A_46 = arith.constant 16 : i32
    %add3A_47 = arith.addi %mul3A_32, %add3A_46 : i32
    %get3A_48 = arith.index_cast %add3A_47 : i32 to index
    %get3A_49 = tpu.vector_load %arg5[%get3A_48] {strides = array<i32>} : memref<384xi32, #tpu.memory_space<vmem>>, vector<16xi32>,
    %get3A_50 = vector.shape_cast %get3A_49 : vector<16xi32> to vector<16xi32>
    %mul3A_51 = arith.constant 384 : i32
    %mul3A_52 = arith.muli %select_n3A, %mul3A_51 : i32
    %add3A_53 = vector.broadcast %mul3A_52 : i32 to vector<16xi32>
    %add3A_54 = arith.addi %get3A_50, %add3A_53 : vector<16xi32>
    %swap3A_55 = arith.constant 16 : index
    %swap3A_56 = tpu.vector_load %arg6[%swap3A_55] {strides = array<i32>} : memref<192xi32, #tpu.memory_space<vmem>>, vector<16xi32>,
    %swap3A_57 = vector.shape_cast %swap3A_56 : vector<16xi32> to vector<16xi32>
    %swap3A_58 = vector.shape_cast %add3A_54 : vector<16xi32> to vector<16xi32>
    tpu.vector_store %arg6[%swap3A_55], %swap3A_58 {strides = array<i32>} : memref<192xi32, #tpu.memory_space<vmem>>, vector<16xi32>,
    %add3A_59 = arith.constant 32 : i32
    %add3A_60 = arith.addi %mul3A_32, %add3A_59 : i32
    %get3A_61 = arith.index_cast %add3A_60 : i32 to index
    %get3A_62 = tpu.vector_load %arg5[%get3A_61] {strides = array<i32>} : memref<384xi32, #tpu.memory_space<vmem>>, vector<16xi32>,
    %get3A_63 = vector.shape_cast %get3A_62 : vector<16xi32> to vector<16xi32>
    %mul3A_64 = arith.constant 384 : i32
    %mul3A_65 = arith.muli %select_n3A, %mul3A_64 : i32
    %add3A_66 = vector.broadcast %mul3A_65 : i32 to vector<16xi32>
    %add3A_67 = arith.addi %get3A_63, %add3A_66 : vector<16xi32>
    %swap3A_68 = arith.constant 32 : index
    %swap3A_69 = tpu.vector_load %arg6[%swap3A_68] {strides = array<i32>} : memref<192xi32, #tpu.memory_space<vmem>>, vector<16xi32>,
    %swap3A_70 = vector.shape_cast %swap3A_69 : vector<16xi32> to vector<16xi32>
    %swap3A_71 = vector.shape_cast %add3A_67 : vector<16xi32> to vector<16xi32>
    tpu.vector_store %arg6[%swap3A_68], %swap3A_71 {strides = array<i32>} : memref<192xi32, #tpu.memory_space<vmem>>, vector<16xi32>,
    %add3A_72 = arith.constant 48 : i32
    %add3A_73 = arith.addi %mul3A_32, %add3A_72 : i32
    %get3A_74 = arith.index_cast %add3A_73 : i32 to index
    %get3A_75 = tpu.vector_load %arg5[%get3A_74] {strides = array<i32>} : memref<384xi32, #tpu.memory_space<vmem>>, vector<16xi32>,
    %get3A_76 = vector.shape_cast %get3A_75 : vector<16xi32> to vector<16xi32>
    %mul3A_77 = arith.constant 384 : i32
    %mul3A_78 = arith.muli %select_n3A, %mul3A_77 : i32
    %add3A_79 = vector.broadcast %mul3A_78 : i32 to vector<16xi32>
    %add3A_80 = arith.addi %get3A_76, %add3A_79 : vector<16xi32>
    %swap3A_81 = arith.constant 48 : index
    %swap3A_82 = tpu.vector_load %arg6[%swap3A_81] {strides = array<i32>} : memref<192xi32, #tpu.memory_space<vmem>>, vector<16xi32>,
    %swap3A_83 = vector.shape_cast %swap3A_82 : vector<16xi32> to vector<16xi32>
    %swap3A_84 = vector.shape_cast %add3A_80 : vector<16xi32> to vector<16xi32>
    tpu.vector_store %arg6[%swap3A_81], %swap3A_84 {strides = array<i32>} : memref<192xi32, #tpu.memory_space<vmem>>, vector<16xi32>,
    %add3A_85 = arith.constant 64 : i32
    %add3A_86 = arith.addi %mul3A_32, %add3A_85 : i32
    %get3A_87 = arith.index_cast %add3A_86 : i32 to index
    %get3A_88 = tpu.vector_load %arg5[%get3A_87] {strides = array<i32>} : memref<384xi32, #tpu.memory_space<vmem>>, vector<16xi32>,
    %get3A_89 = vector.shape_cast %get3A_88 : vector<16xi32> to vector<16xi32>
    %mul3A_90 = arith.constant 384 : i32
    %mul3A_91 = arith.muli %select_n3A, %mul3A_90 : i32
    %add3A_92 = vector.broadcast %mul3A_91 : i32 to vector<16xi32>
    %add3A_93 = arith.addi %get3A_89, %add3A_92 : vector<16xi32>
    %swap3A_94 = arith.constant 64 : index
    %swap3A_95 = tpu.vector_load %arg6[%swap3A_94] {strides = array<i32>} : memref<192xi32, #tpu.memory_space<vmem>>, vector<16xi32>,
    %swap3A_96 = vector.shape_cast %swap3A_95 : vector<16xi32> to vector<16xi32>
    %swap3A_97 = vector.shape_cast %add3A_93 : vector<16xi32> to vector<16xi32>
    tpu.vector_store %arg6[%swap3A_94], %swap3A_97 {strides = array<i32>} : memref<192xi32, #tpu.memory_space<vmem>>, vector<16xi32>,
    %add3A_98 = arith.constant 80 : i32
    %add3A_99 = arith.addi %mul3A_32, %add3A_98 : i32
    %get3A_100 = arith.index_cast %add3A_99 : i32 to index
    %get3A_101 = tpu.vector_load %arg5[%get3A_100] {strides = array<i32>} : memref<384xi32, #tpu.memory_space<vmem>>, vector<16xi32>,
    %get3A_102 = vector.shape_cast %get3A_101 : vector<16xi32> to vector<16xi32>
    %mul3A_103 = arith.constant 384 : i32
    %mul3A_104 = arith.muli %select_n3A, %mul3A_103 : i32
    %add3A_105 = vector.broadcast %mul3A_104 : i32 to vector<16xi32>
    %add3A_106 = arith.addi %get3A_102, %add3A_105 : vector<16xi32>
    %swap3A_107 = arith.constant 80 : index
    %swap3A_108 = tpu.vector_load %arg6[%swap3A_107] {strides = array<i32>} : memref<192xi32, #tpu.memory_space<vmem>>, vector<16xi32>,
    %swap3A_109 = vector.shape_cast %swap3A_108 : vector<16xi32> to vector<16xi32>
    %swap3A_110 = vector.shape_cast %add3A_106 : vector<16xi32> to vector<16xi32>
    tpu.vector_store %arg6[%swap3A_107], %swap3A_110 {strides = array<i32>} : memref<192xi32, #tpu.memory_space<vmem>>, vector<16xi32>,
    %add3A_111 = arith.constant 96 : i32
    %add3A_112 = arith.addi %mul3A_32, %add3A_111 : i32
    %get3A_113 = arith.index_cast %add3A_112 : i32 to index
    %get3A_114 = tpu.vector_load %arg5[%get3A_113] {strides = array<i32>} : memref<384xi32, #tpu.memory_space<vmem>>, vector<16xi32>,
    %get3A_115 = vector.shape_cast %get3A_114 : vector<16xi32> to vector<16xi32>
    %mul3A_116 = arith.constant 384 : i32
    %mul3A_117 = arith.muli %select_n3A, %mul3A_116 : i32
    %add3A_118 = vector.broadcast %mul3A_117 : i32 to vector<16xi32>
    %add3A_119 = arith.addi %get3A_115, %add3A_118 : vector<16xi32>
    %swap3A_120 = arith.constant 96 : index
    %swap3A_121 = tpu.vector_load %arg6[%swap3A_120] {strides = array<i32>} : memref<192xi32, #tpu.memory_space<vmem>>, vector<16xi32>,
    %swap3A_122 = vector.shape_cast %swap3A_121 : vector<16xi32> to vector<16xi32>
    %swap3A_123 = vector.shape_cast %add3A_119 : vector<16xi32> to vector<16xi32>
    tpu.vector_store %arg6[%swap3A_120], %swap3A_123 {strides = array<i32>} : memref<192xi32, #tpu.memory_space<vmem>>, vector<16xi32>,
    %add3A_124 = arith.constant 112 : i32
    %add3A_125 = arith.addi %mul3A_32, %add3A_124 : i32
    %get3A_126 = arith.index_cast %add3A_125 : i32 to index
    %get3A_127 = tpu.vector_load %arg5[%get3A_126] {strides = array<i32>} : memref<384xi32, #tpu.memory_space<vmem>>, vector<16xi32>,
    %get3A_128 = vector.shape_cast %get3A_127 : vector<16xi32> to vector<16xi32>
    %mul3A_129 = arith.constant 384 : i32
    %mul3A_130 = arith.muli %select_n3A, %mul3A_129 : i32
    %add3A_131 = vector.broadcast %mul3A_130 : i32 to vector<16xi32>
    %add3A_132 = arith.addi %get3A_128, %add3A_131 : vector<16xi32>
    %swap3A_133 = arith.constant 112 : index
    %swap3A_134 = tpu.vector_load %arg6[%swap3A_133] {strides = array<i32>} : memref<192xi32, #tpu.memory_space<vmem>>, vector<16xi32>,
    %swap3A_135 = vector.shape_cast %swap3A_134 : vector<16xi32> to vector<16xi32>
    %swap3A_136 = vector.shape_cast %add3A_132 : vector<16xi32> to vector<16xi32>
    tpu.vector_store %arg6[%swap3A_133], %swap3A_136 {strides = array<i32>} : memref<192xi32, #tpu.memory_space<vmem>>, vector<16xi32>,
    %add3A_137 = arith.constant 128 : i32
    %add3A_138 = arith.addi %mul3A_32, %add3A_137 : i32
    %get3A_139 = arith.index_cast %add3A_138 : i32 to index
    %get3A_140 = tpu.vector_load %arg5[%get3A_139] {strides = array<i32>} : memref<384xi32, #tpu.memory_space<vmem>>, vector<16xi32>,
    %get3A_141 = vector.shape_cast %get3A_140 : vector<16xi32> to vector<16xi32>
    %mul3A_142 = arith.constant 384 : i32
    %mul3A_143 = arith.muli %select_n3A, %mul3A_142 : i32
    %add3A_144 = vector.broadcast %mul3A_143 : i32 to vector<16xi32>
    %add3A_145 = arith.addi %get3A_141, %add3A_144 : vector<16xi32>
    %swap3A_146 = arith.constant 128 : index
    %swap3A_147 = tpu.vector_load %arg6[%swap3A_146] {strides = array<i32>} : memref<192xi32, #tpu.memory_space<vmem>>, vector<16xi32>,
    %swap3A_148 = vector.shape_cast %swap3A_147 : vector<16xi32> to vector<16xi32>
    %swap3A_149 = vector.shape_cast %add3A_145 : vector<16xi32> to vector<16xi32>
    tpu.vector_store %arg6[%swap3A_146], %swap3A_149 {strides = array<i32>} : memref<192xi32, #tpu.memory_space<vmem>>, vector<16xi32>,
    %add3A_150 = arith.constant 144 : i32
    %add3A_151 = arith.addi %mul3A_32, %add3A_150 : i32
    %get3A_152 = arith.index_cast %add3A_151 : i32 to index
    %get3A_153 = tpu.vector_load %arg5[%get3A_152] {strides = array<i32>} : memref<384xi32, #tpu.memory_space<vmem>>, vector<16xi32>,
    %get3A_154 = vector.shape_cast %get3A_153 : vector<16xi32> to vector<16xi32>
    %mul3A_155 = arith.constant 384 : i32
    %mul3A_156 = arith.muli %select_n3A, %mul3A_155 : i32
    %add3A_157 = vector.broadcast %mul3A_156 : i32 to vector<16xi32>
    %add3A_158 = arith.addi %get3A_154, %add3A_157 : vector<16xi32>
    %swap3A_159 = arith.constant 144 : index
    %swap3A_160 = tpu.vector_load %arg6[%swap3A_159] {strides = array<i32>} : memref<192xi32, #tpu.memory_space<vmem>>, vector<16xi32>,
    %swap3A_161 = vector.shape_cast %swap3A_160 : vector<16xi32> to vector<16xi32>
    %swap3A_162 = vector.shape_cast %add3A_158 : vector<16xi32> to vector<16xi32>
    tpu.vector_store %arg6[%swap3A_159], %swap3A_162 {strides = array<i32>} : memref<192xi32, #tpu.memory_space<vmem>>, vector<16xi32>,
    %add3A_163 = arith.constant 160 : i32
    %add3A_164 = arith.addi %mul3A_32, %add3A_163 : i32
    %get3A_165 = arith.index_cast %add3A_164 : i32 to index
    %get3A_166 = tpu.vector_load %arg5[%get3A_165] {strides = array<i32>} : memref<384xi32, #tpu.memory_space<vmem>>, vector<16xi32>,
    %get3A_167 = vector.shape_cast %get3A_166 : vector<16xi32> to vector<16xi32>
    %mul3A_168 = arith.constant 384 : i32
    %mul3A_169 = arith.muli %select_n3A, %mul3A_168 : i32
    %add3A_170 = vector.broadcast %mul3A_169 : i32 to vector<16xi32>
    %add3A_171 = arith.addi %get3A_167, %add3A_170 : vector<16xi32>
    %swap3A_172 = arith.constant 160 : index
    %swap3A_173 = tpu.vector_load %arg6[%swap3A_172] {strides = array<i32>} : memref<192xi32, #tpu.memory_space<vmem>>, vector<16xi32>,
    %swap3A_174 = vector.shape_cast %swap3A_173 : vector<16xi32> to vector<16xi32>
    %swap3A_175 = vector.shape_cast %add3A_171 : vector<16xi32> to vector<16xi32>
    tpu.vector_store %arg6[%swap3A_172], %swap3A_175 {strides = array<i32>} : memref<192xi32, #tpu.memory_space<vmem>>, vector<16xi32>,
    %add3A_176 = arith.constant 176 : i32
    %add3A_177 = arith.addi %mul3A_32, %add3A_176 : i32
    %get3A_178 = arith.index_cast %add3A_177 : i32 to index
    %get3A_179 = tpu.vector_load %arg5[%get3A_178] {strides = array<i32>} : memref<384xi32, #tpu.memory_space<vmem>>, vector<16xi32>,
    %get3A_180 = vector.shape_cast %get3A_179 : vector<16xi32> to vector<16xi32>
    %mul3A_181 = arith.constant 384 : i32
    %mul3A_182 = arith.muli %select_n3A, %mul3A_181 : i32
    %add3A_183 = vector.broadcast %mul3A_182 : i32 to vector<16xi32>
    %add3A_184 = arith.addi %get3A_180, %add3A_183 : vector<16xi32>
    %swap3A_185 = arith.constant 176 : index
    %swap3A_186 = tpu.vector_load %arg6[%swap3A_185] {strides = array<i32>} : memref<192xi32, #tpu.memory_space<vmem>>, vector<16xi32>,
    %swap3A_187 = vector.shape_cast %swap3A_186 : vector<16xi32> to vector<16xi32>
    %swap3A_188 = vector.shape_cast %add3A_184 : vector<16xi32> to vector<16xi32>
    tpu.vector_store %arg6[%swap3A_185], %swap3A_188 {strides = array<i32>} : memref<192xi32, #tpu.memory_space<vmem>>, vector<16xi32>,
    %dma_start3A = arith.constant 0 : i32
    %dma_start3A_189 = arith.constant 0 : i32
    %dma_start3A_190 = arith.constant 0 : i32
    %dma_start3A_191 = tpu.memref_slice %arg7[%dma_start3A, %dma_start3A_189, %dma_start3A_190] : memref<2x8x4096xf32, #tpu.memory_space<vmem>> -> memref<1x8x4096xf32, #tpu.memory_space<vmem>>
    %dma_start3A_192 = tpu.memref_squeeze %dma_start3A_191 : memref<1x8x4096xf32, #tpu.memory_space<vmem>> -> memref<8x4096xf32, #tpu.memory_space<vmem>>
    %dma_start3A_193 = arith.constant 0 : i32
    %dma_start3A_194 = tpu.memref_slice %arg6[%dma_start3A_193] : memref<192xi32, #tpu.memory_space<vmem>> -> memref<8xi32, #tpu.memory_space<vmem>>
    %dma_start3A_195 = arith.constant 0 : i32
    %dma_start3A_196 = arith.constant 0 : i32
    %dma_start3A_197 = tpu.memref_slice %arg2[%dma_start3A_195, %dma_start3A_196] : memref<6144x4096xf32, #tpu.memory_space<hbm>> -> memref<6144x4096xf32, #tpu.memory_space<hbm>>
    tpu.enqueue_indirect_dma source(%dma_start3A_197 : memref<6144x4096xf32, #tpu.memory_space<hbm>>) target(%dma_start3A_192 : memref<8x4096xf32, #tpu.memory_space<vmem>>) offsets(%dma_start3A_194 : memref<8xi32, #tpu.memory_space<vmem>>) semaphore(%arg8 : memref<!tpu.dma_semaphore, #tpu.memory_space<semaphore_mem>>)
    %scan3A = arith.constant 0 : i32
    %scan3A_198 = arith.constant 0 : i32
    %scan3A_199 = arith.constant 12 : i32
    %scan3A_200 = arith.addi %scan3A_198, %scan3A_199 : i32
    %scan3A_201 = arith.constant 1 : i32
    scf.for %scan3A_217 = %scan3A_198 to %scan3A_200 step %scan3A_201  : i32 {
      %mul3A_218 = arith.constant 2 : i32
      %mul3A_219 = arith.muli %mul3A_218, %scan3A_217 : i32
      %add3A_220 = arith.constant 1 : i32
      %add3A_221 = arith.addi %mul3A_219, %add3A_220 : i32
      %mul3A_222 = arith.constant 8 : i32
      %mul3A_223 = arith.muli %mul3A_219, %mul3A_222 : i32
      %dma_wait3A_224 = arith.constant 0 : i32
      %dma_wait3A_225 = arith.constant 0 : i32
      %dma_wait3A_226 = arith.constant 0 : i32
      %dma_wait3A_227 = tpu.memref_slice %arg7[%dma_wait3A_224, %dma_wait3A_225, %dma_wait3A_226] : memref<2x8x4096xf32, #tpu.memory_space<vmem>> -> memref<1x8x4096xf32, #tpu.memory_space<vmem>>
      %dma_wait3A_228 = tpu.memref_squeeze %dma_wait3A_227 : memref<1x8x4096xf32, #tpu.memory_space<vmem>> -> memref<8x4096xf32, #tpu.memory_space<vmem>>
      %dma_wait3A_229 = tpu.memref_slice %arg6[%mul3A_223] : memref<192xi32, #tpu.memory_space<vmem>> -> memref<8xi32, #tpu.memory_space<vmem>>
      %dma_wait3A_230 = arith.constant 0 : i32
      %dma_wait3A_231 = arith.constant 0 : i32
      %dma_wait3A_232 = tpu.memref_slice %arg2[%dma_wait3A_230, %dma_wait3A_231] : memref<6144x4096xf32, #tpu.memory_space<hbm>> -> memref<6144x4096xf32, #tpu.memory_space<hbm>>
      tpu.wait_indirect_dma semaphore(%arg8 : memref<!tpu.dma_semaphore, #tpu.memory_space<semaphore_mem>>) src(%dma_wait3A_232 : memref<6144x4096xf32, #tpu.memory_space<hbm>>) dst(%dma_wait3A_228 : memref<8x4096xf32, #tpu.memory_space<vmem>>)
      %gt3A = arith.constant 0 : i32
      %gt3A_233 = arith.cmpi sgt, %scan3A_217, %gt3A : i32
      %convert_element_type3A = arith.extui %gt3A_233 : i1 to i32
      %cond3A = arith.constant 0 : i32
      %cond3A_234 = arith.cmpi ne, %convert_element_type3A, %cond3A : i32
      scf.if %cond3A_234 {
        %sub3A_310 = arith.constant 1 : i32
        %sub3A_311 = arith.subi %mul3A_219, %sub3A_310 : i32
        %mul3A_312 = arith.constant 8 : i32
        %mul3A_313 = arith.muli %sub3A_311, %mul3A_312 : i32
        %add3A_314 = arith.addi %mul3A_34, %mul3A_313 : i32
        %dma_wait3A_315 = arith.constant 1 : i32
        %dma_wait3A_316 = arith.constant 0 : i32
        %dma_wait3A_317 = arith.constant 0 : i32
        %dma_wait3A_318 = tpu.memref_slice %arg7[%dma_wait3A_315, %dma_wait3A_316, %dma_wait3A_317] : memref<2x8x4096xf32, #tpu.memory_space<vmem>> -> memref<1x8x4096xf32, #tpu.memory_space<vmem>>
        %dma_wait3A_319 = tpu.memref_squeeze %dma_wait3A_318 : memref<1x8x4096xf32, #tpu.memory_space<vmem>> -> memref<8x4096xf32, #tpu.memory_space<vmem>>
        %dma_wait3A_320 = arith.constant 0 : i32
        %dma_wait3A_321 = tpu.memref_slice %arg4[%add3A_314, %dma_wait3A_320] : memref<6144x4096xf32, #tpu.memory_space<hbm>> -> memref<8x4096xf32, #tpu.memory_space<hbm>>
        %dma_wait3A_322 = arith.constant 0 : i32
        %dma_wait3A_323 = tpu.memref_slice %arg4[%add3A_314, %dma_wait3A_322] : memref<6144x4096xf32, #tpu.memory_space<hbm>> -> memref<8x4096xf32, #tpu.memory_space<hbm>>
        %dma_wait3A_324 = arith.constant 0 : i32
        %dma_wait3A_325 = arith.constant 0 : i32
        %dma_wait3A_326 = tpu.memref_slice %arg7[%dma_wait3A_315, %dma_wait3A_324, %dma_wait3A_325] : memref<2x8x4096xf32, #tpu.memory_space<vmem>> -> memref<1x8x4096xf32, #tpu.memory_space<vmem>>
        %dma_wait3A_327 = tpu.memref_squeeze %dma_wait3A_326 : memref<1x8x4096xf32, #tpu.memory_space<vmem>> -> memref<8x4096xf32, #tpu.memory_space<vmem>>
        tpu.wait_dma2 semaphore(%arg11 : memref<!tpu.dma_semaphore, #tpu.memory_space<semaphore_mem>>) src(%dma_wait3A_327 : memref<8x4096xf32, #tpu.memory_space<vmem>>) dst(%dma_wait3A_323 : memref<8x4096xf32, #tpu.memory_space<hbm>>)
      } else {
      }
      %mul3A_235 = arith.constant 8 : i32
      %mul3A_236 = arith.muli %mul3A_219, %mul3A_235 : i32
      %add3A_237 = arith.addi %mul3A_34, %mul3A_236 : i32
      %dma_start3A_238 = arith.constant 0 : i32
      %dma_start3A_239 = arith.constant 0 : i32
      %dma_start3A_240 = arith.constant 0 : i32
      %dma_start3A_241 = tpu.memref_slice %arg7[%dma_start3A_238, %dma_start3A_239, %dma_start3A_240] : memref<2x8x4096xf32, #tpu.memory_space<vmem>> -> memref<1x8x4096xf32, #tpu.memory_space<vmem>>
      %dma_start3A_242 = tpu.memref_squeeze %dma_start3A_241 : memref<1x8x4096xf32, #tpu.memory_space<vmem>> -> memref<8x4096xf32, #tpu.memory_space<vmem>>
      %dma_start3A_243 = arith.constant 0 : i32
      %dma_start3A_244 = tpu.memref_slice %arg4[%add3A_237, %dma_start3A_243] : memref<6144x4096xf32, #tpu.memory_space<hbm>> -> memref<8x4096xf32, #tpu.memory_space<hbm>>
      %dma_start3A_245 = arith.constant 0 : i32
      %dma_start3A_246 = tpu.memref_slice %arg4[%add3A_237, %dma_start3A_245] : memref<6144x4096xf32, #tpu.memory_space<hbm>> -> memref<8x4096xf32, #tpu.memory_space<hbm>>
      %dma_start3A_247 = arith.constant 0 : i32
      %dma_start3A_248 = arith.constant 0 : i32
      %dma_start3A_249 = tpu.memref_slice %arg7[%dma_start3A_238, %dma_start3A_247, %dma_start3A_248] : memref<2x8x4096xf32, #tpu.memory_space<vmem>> -> memref<1x8x4096xf32, #tpu.memory_space<vmem>>
      %dma_start3A_250 = tpu.memref_squeeze %dma_start3A_249 : memref<1x8x4096xf32, #tpu.memory_space<vmem>> -> memref<8x4096xf32, #tpu.memory_space<vmem>>
      tpu.enqueue_dma source(%dma_start3A_250 : memref<8x4096xf32, #tpu.memory_space<vmem>>) target(%dma_start3A_246 : memref<8x4096xf32, #tpu.memory_space<hbm>>) target_semaphore(%arg10 : memref<!tpu.dma_semaphore, #tpu.memory_space<semaphore_mem>>)
      %mul3A_251 = arith.constant 8 : i32
      %mul3A_252 = arith.muli %add3A_221, %mul3A_251 : i32
      %dma_start3A_253 = arith.constant 1 : i32
      %dma_start3A_254 = arith.constant 0 : i32
      %dma_start3A_255 = arith.constant 0 : i32
      %dma_start3A_256 = tpu.memref_slice %arg7[%dma_start3A_253, %dma_start3A_254, %dma_start3A_255] : memref<2x8x4096xf32, #tpu.memory_space<vmem>> -> memref<1x8x4096xf32, #tpu.memory_space<vmem>>
      %dma_start3A_257 = tpu.memref_squeeze %dma_start3A_256 : memref<1x8x4096xf32, #tpu.memory_space<vmem>> -> memref<8x4096xf32, #tpu.memory_space<vmem>>
      %dma_start3A_258 = tpu.memref_slice %arg6[%mul3A_252] : memref<192xi32, #tpu.memory_space<vmem>> -> memref<8xi32, #tpu.memory_space<vmem>>
      %dma_start3A_259 = arith.constant 0 : i32
      %dma_start3A_260 = arith.constant 0 : i32
      %dma_start3A_261 = tpu.memref_slice %arg2[%dma_start3A_259, %dma_start3A_260] : memref<6144x4096xf32, #tpu.memory_space<hbm>> -> memref<6144x4096xf32, #tpu.memory_space<hbm>>
      tpu.enqueue_indirect_dma source(%dma_start3A_261 : memref<6144x4096xf32, #tpu.memory_space<hbm>>) target(%dma_start3A_257 : memref<8x4096xf32, #tpu.memory_space<vmem>>) offsets(%dma_start3A_258 : memref<8xi32, #tpu.memory_space<vmem>>) semaphore(%arg9 : memref<!tpu.dma_semaphore, #tpu.memory_space<semaphore_mem>>)
      %mul3A_262 = arith.constant 8 : i32
      %mul3A_263 = arith.muli %add3A_221, %mul3A_262 : i32
      %dma_wait3A_264 = arith.constant 1 : i32
      %dma_wait3A_265 = arith.constant 0 : i32
      %dma_wait3A_266 = arith.constant 0 : i32
      %dma_wait3A_267 = tpu.memref_slice %arg7[%dma_wait3A_264, %dma_wait3A_265, %dma_wait3A_266] : memref<2x8x4096xf32, #tpu.memory_space<vmem>> -> memref<1x8x4096xf32, #tpu.memory_space<vmem>>
      %dma_wait3A_268 = tpu.memref_squeeze %dma_wait3A_267 : memref<1x8x4096xf32, #tpu.memory_space<vmem>> -> memref<8x4096xf32, #tpu.memory_space<vmem>>
      %dma_wait3A_269 = tpu.memref_slice %arg6[%mul3A_263] : memref<192xi32, #tpu.memory_space<vmem>> -> memref<8xi32, #tpu.memory_space<vmem>>
      %dma_wait3A_270 = arith.constant 0 : i32
      %dma_wait3A_271 = arith.constant 0 : i32
      %dma_wait3A_272 = tpu.memref_slice %arg2[%dma_wait3A_270, %dma_wait3A_271] : memref<6144x4096xf32, #tpu.memory_space<hbm>> -> memref<6144x4096xf32, #tpu.memory_space<hbm>>
      tpu.wait_indirect_dma semaphore(%arg9 : memref<!tpu.dma_semaphore, #tpu.memory_space<semaphore_mem>>) src(%dma_wait3A_272 : memref<6144x4096xf32, #tpu.memory_space<hbm>>) dst(%dma_wait3A_268 : memref<8x4096xf32, #tpu.memory_space<vmem>>)
      %mul3A_273 = arith.constant 8 : i32
      %mul3A_274 = arith.muli %mul3A_219, %mul3A_273 : i32
      %add3A_275 = arith.addi %mul3A_34, %mul3A_274 : i32
      %dma_wait3A_276 = arith.constant 0 : i32
      %dma_wait3A_277 = arith.constant 0 : i32
      %dma_wait3A_278 = arith.constant 0 : i32
      %dma_wait3A_279 = tpu.memref_slice %arg7[%dma_wait3A_276, %dma_wait3A_277, %dma_wait3A_278] : memref<2x8x4096xf32, #tpu.memory_space<vmem>> -> memref<1x8x4096xf32, #tpu.memory_space<vmem>>
      %dma_wait3A_280 = tpu.memref_squeeze %dma_wait3A_279 : memref<1x8x4096xf32, #tpu.memory_space<vmem>> -> memref<8x4096xf32, #tpu.memory_space<vmem>>
      %dma_wait3A_281 = arith.constant 0 : i32
      %dma_wait3A_282 = tpu.memref_slice %arg4[%add3A_275, %dma_wait3A_281] : memref<6144x4096xf32, #tpu.memory_space<hbm>> -> memref<8x4096xf32, #tpu.memory_space<hbm>>
      %dma_wait3A_283 = arith.constant 0 : i32
      %dma_wait3A_284 = tpu.memref_slice %arg4[%add3A_275, %dma_wait3A_283] : memref<6144x4096xf32, #tpu.memory_space<hbm>> -> memref<8x4096xf32, #tpu.memory_space<hbm>>
      %dma_wait3A_285 = arith.constant 0 : i32
      %dma_wait3A_286 = arith.constant 0 : i32
      %dma_wait3A_287 = tpu.memref_slice %arg7[%dma_wait3A_276, %dma_wait3A_285, %dma_wait3A_286] : memref<2x8x4096xf32, #tpu.memory_space<vmem>> -> memref<1x8x4096xf32, #tpu.memory_space<vmem>>
      %dma_wait3A_288 = tpu.memref_squeeze %dma_wait3A_287 : memref<1x8x4096xf32, #tpu.memory_space<vmem>> -> memref<8x4096xf32, #tpu.memory_space<vmem>>
      tpu.wait_dma2 semaphore(%arg10 : memref<!tpu.dma_semaphore, #tpu.memory_space<semaphore_mem>>) src(%dma_wait3A_288 : memref<8x4096xf32, #tpu.memory_space<vmem>>) dst(%dma_wait3A_284 : memref<8x4096xf32, #tpu.memory_space<hbm>>)
      %mul3A_289 = arith.constant 8 : i32
      %mul3A_290 = arith.muli %add3A_221, %mul3A_289 : i32
      %add3A_291 = arith.addi %mul3A_34, %mul3A_290 : i32
      %dma_start3A_292 = arith.constant 1 : i32
      %dma_start3A_293 = arith.constant 0 : i32
      %dma_start3A_294 = arith.constant 0 : i32
      %dma_start3A_295 = tpu.memref_slice %arg7[%dma_start3A_292, %dma_start3A_293, %dma_start3A_294] : memref<2x8x4096xf32, #tpu.memory_space<vmem>> -> memref<1x8x4096xf32, #tpu.memory_space<vmem>>
      %dma_start3A_296 = tpu.memref_squeeze %dma_start3A_295 : memref<1x8x4096xf32, #tpu.memory_space<vmem>> -> memref<8x4096xf32, #tpu.memory_space<vmem>>
      %dma_start3A_297 = arith.constant 0 : i32
      %dma_start3A_298 = tpu.memref_slice %arg4[%add3A_291, %dma_start3A_297] : memref<6144x4096xf32, #tpu.memory_space<hbm>> -> memref<8x4096xf32, #tpu.memory_space<hbm>>
      %dma_start3A_299 = arith.constant 0 : i32
      %dma_start3A_300 = tpu.memref_slice %arg4[%add3A_291, %dma_start3A_299] : memref<6144x4096xf32, #tpu.memory_space<hbm>> -> memref<8x4096xf32, #tpu.memory_space<hbm>>
      %dma_start3A_301 = arith.constant 0 : i32
      %dma_start3A_302 = arith.constant 0 : i32
      %dma_start3A_303 = tpu.memref_slice %arg7[%dma_start3A_292, %dma_start3A_301, %dma_start3A_302] : memref<2x8x4096xf32, #tpu.memory_space<vmem>> -> memref<1x8x4096xf32, #tpu.memory_space<vmem>>
      %dma_start3A_304 = tpu.memref_squeeze %dma_start3A_303 : memref<1x8x4096xf32, #tpu.memory_space<vmem>> -> memref<8x4096xf32, #tpu.memory_space<vmem>>
      tpu.enqueue_dma source(%dma_start3A_304 : memref<8x4096xf32, #tpu.memory_space<vmem>>) target(%dma_start3A_300 : memref<8x4096xf32, #tpu.memory_space<hbm>>) target_semaphore(%arg11 : memref<!tpu.dma_semaphore, #tpu.memory_space<semaphore_mem>>)
      %lt3A_305 = arith.constant 11 : i32
      %lt3A_306 = arith.cmpi slt, %scan3A_217, %lt3A_305 : i32
      %convert_element_type3A_307 = arith.extui %lt3A_306 : i1 to i32
      %cond3A_308 = arith.constant 0 : i32
      %cond3A_309 = arith.cmpi ne, %convert_element_type3A_307, %cond3A_308 : i32
      scf.if %cond3A_309 {
        %add3A_310 = arith.constant 2 : i32
        %add3A_311 = arith.addi %mul3A_219, %add3A_310 : i32
        %mul3A_312 = arith.constant 8 : i32
        %mul3A_313 = arith.muli %add3A_311, %mul3A_312 : i32
        %dma_start3A_314 = arith.constant 0 : i32
        %dma_start3A_315 = arith.constant 0 : i32
        %dma_start3A_316 = arith.constant 0 : i32
        %dma_start3A_317 = tpu.memref_slice %arg7[%dma_start3A_314, %dma_start3A_315, %dma_start3A_316] : memref<2x8x4096xf32, #tpu.memory_space<vmem>> -> memref<1x8x4096xf32, #tpu.memory_space<vmem>>
        %dma_start3A_318 = tpu.memref_squeeze %dma_start3A_317 : memref<1x8x4096xf32, #tpu.memory_space<vmem>> -> memref<8x4096xf32, #tpu.memory_space<vmem>>
        %dma_start3A_319 = tpu.memref_slice %arg6[%mul3A_313] : memref<192xi32, #tpu.memory_space<vmem>> -> memref<8xi32, #tpu.memory_space<vmem>>
        %dma_start3A_320 = arith.constant 0 : i32
        %dma_start3A_321 = arith.constant 0 : i32
        %dma_start3A_322 = tpu.memref_slice %arg2[%dma_start3A_320, %dma_start3A_321] : memref<6144x4096xf32, #tpu.memory_space<hbm>> -> memref<6144x4096xf32, #tpu.memory_space<hbm>>
        tpu.enqueue_indirect_dma source(%dma_start3A_322 : memref<6144x4096xf32, #tpu.memory_space<hbm>>) target(%dma_start3A_318 : memref<8x4096xf32, #tpu.memory_space<vmem>>) offsets(%dma_start3A_319 : memref<8xi32, #tpu.memory_space<vmem>>) semaphore(%arg8 : memref<!tpu.dma_semaphore, #tpu.memory_space<semaphore_mem>>)
      } else {
      }
    }
    %scan3A_202 = arith.constant 12 : i32
    %add3A_203 = arith.constant 184 : i32
    %add3A_204 = arith.addi %mul3A_34, %add3A_203 : i32
    %dma_wait3A = arith.constant 1 : i32
    %dma_wait3A_205 = arith.constant 0 : i32
    %dma_wait3A_206 = arith.constant 0 : i32
    %dma_wait3A_207 = tpu.memref_slice %arg7[%dma_wait3A, %dma_wait3A_205, %dma_wait3A_206] : memref<2x8x4096xf32, #tpu.memory_space<vmem>> -> memref<1x8x4096xf32, #tpu.memory_space<vmem>>
    %dma_wait3A_208 = tpu.memref_squeeze %dma_wait3A_207 : memref<1x8x4096xf32, #tpu.memory_space<vmem>> -> memref<8x4096xf32, #tpu.memory_space<vmem>>
    %dma_wait3A_209 = arith.constant 0 : i32
    %dma_wait3A_210 = tpu.memref_slice %arg4[%add3A_204, %dma_wait3A_209] : memref<6144x4096xf32, #tpu.memory_space<hbm>> -> memref<8x4096xf32, #tpu.memory_space<hbm>>
    %dma_wait3A_211 = arith.constant 0 : i32
    %dma_wait3A_212 = tpu.memref_slice %arg4[%add3A_204, %dma_wait3A_211] : memref<6144x4096xf32, #tpu.memory_space<hbm>> -> memref<8x4096xf32, #tpu.memory_space<hbm>>
    %dma_wait3A_213 = arith.constant 0 : i32
    %dma_wait3A_214 = arith.constant 0 : i32
    %dma_wait3A_215 = tpu.memref_slice %arg7[%dma_wait3A, %dma_wait3A_213, %dma_wait3A_214] : memref<2x8x4096xf32, #tpu.memory_space<vmem>> -> memref<1x8x4096xf32, #tpu.memory_space<vmem>>
    %dma_wait3A_216 = tpu.memref_squeeze %dma_wait3A_215 : memref<1x8x4096xf32, #tpu.memory_space<vmem>> -> memref<8x4096xf32, #tpu.memory_space<vmem>>
    tpu.wait_dma2 semaphore(%arg11 : memref<!tpu.dma_semaphore, #tpu.memory_space<semaphore_mem>>) src(%dma_wait3A_216 : memref<8x4096xf32, #tpu.memory_space<vmem>>) dst(%dma_wait3A_212 : memref<8x4096xf32, #tpu.memory_space<hbm>>)
    return
  }
}

</mosaic_0001>

<sc_bundles>
// kernel: _shuffle.3.cloned.1.call-start
scs
__scs_entry_jumppad:
0x0: {  	(pc) =	sbr.rel $0x88, $3  }
0x1: {  	(tag) =	ssettag $0x0;
	lr =	simm.s32 $0x1  }
0x2: {  	[smem:$0x3F9F] =	sst lr;
	_ =	strace $0xD0000000  }
0x3: {  	_ = 	snop  }
0x4: {  	_ = 	snop  }
0x5: {  	_ = 	snop  }
0x6: {  	_ = 	snop  }
0x7: {  	_ = 	snop  }
__scs_overlays_trampoline_lowered:
0x8: {  	[smem:$0x3FAE] =	sst s0  }
0x9: {  	[smem:$0x3FAF] =	sst s1  }
0xa: {  	[smem:$0x3FB0] =	sst s2  }
0xb: {  	[smem:$0x3FB1] =	sst s3  }
0xc: {  	[smem:$0x3FB2] =	sst s4  }
0xd: {  	[smem:$0x3FB3] =	sst s5  }
0xe: {  	[smem:$0x3FB4] =	sst s6  }
0xf: {  	[smem:$0x3FB5] =	sst s7  }
0x10: {  	[smem:$0x3FB6] =	sst s8  }
0x11: {  	[smem:$0x3FB7] =	sst s9;
	s0 =	simm.s32 @!p0 $0x0  }
0x12: {  	s1 =	sld [smem:$0x3F9D];
	s0 =	simm.s32 @p0 $0x1  }
0x13: {  	[smem:$0x3FB8] =	sst s0;
	s0 =	simm.s32 @!p1 $0x0  }
0x14: {  	s2 =	sld [smem:$0x3F9C];
	s0 =	simm.s32 @p1 $0x1  }
0x15: {  	[smem:$0x3FB9] =	sst s0;
	s0 =	simm.s32 @!p2 $0x0  }
0x16: {  	s3 =	sld [smem:$0x3FDB];
	s0 =	simm.s32 @p2 $0x1  }
0x17: {  	s4 =	simm.s32 $0x1BF5;
	[smem:$0x3FBB] =	sst s0  }
0x18: {  	s0 =	sld [smem:$0x3F9E];
	_ =	swait.ge [sflag:s4], $0x0  }
0x19: {  	s7 =	sld [smem:$0x3F9F]  }
0x1a: {  	s8 =	sadd.s32 $0xFFFFE003, lr  }
0x1b: {  	s9 =	sadd.s32 $0xFFFFFEF7, lr;
	s5 =	simm.s32 $0xFFFFFFFF;
	p2 =	slt.u32 s8, $0xFFFFF086  }
0x1c: {  	p1 =	slt.u32 s9, $0xF7A;
	s5 =	simm.s32 @!p2 $0x0  }
0x1d: {  	s5 =	simm.s32 @p1 $0x1;
	p0 =	seq.s32 s7, s2  }
0x1e: {  	s7 =	smul.u32 @!p0 $0xF7A, s2;
	p2 =	seq.s32 @!p0 s5, $0x0  }
0x1f: {  	s9 =	smul.u32 $0xF7A, s1;
	s8 =	simm.s32 @!p0 $0x1BF5;
	p2 =	por !p2, p0  }
0x20: {  	[sflag:s8] =	ssyncset.s32 @!p0 $0xFFFFF086;
	s6 =	sadd.s32 @!p0 s3, s7;
	s7 =	simm.s32 @!p0 $0x108  }
0x21: {  	s3 =	sadd.s32 s3, s9;
	s6 =	sadd.s32 @!p0 $0x88, s6;
	s7 =	simm.s32 @p2 $0x1082  }
0x22: {  	[simem:s7], [sflag:s8] =	dma.local @!p0 [hbm:s6], $0xF7A  }
0x23: {  	s9 =	sor.u32 $0xD0000000, s2;
	s6 =	simm.s32 $0x108;
	_ =	swait.ge @!p0 [sflag:s8], $0x0  }
0x24: {  	s3 =	sadd.s32 $0x88, s3;
	s6 =	simm.s32 @!p1 $0x1082;
	[sflag:s4] =	ssyncset.s32 $0xFFFFF086  }
0x25: {  	[simem:s6], [sflag:s4] =	dma.local [hbm:s3], $0xF7A  }
0x26: {  	[smem:$0x3F9F] =	sst s1;
	(tag) =	ssettag s2;
	_ =	strace s9  }
0x27: {  	s1 =	sld [smem:$0x3FAF]  }
0x28: {  	s2 =	sld [smem:$0x3FB0]  }
0x29: {  	s4 =	sld [smem:$0x3FB2]  }
0x2a: {  	p0 =	seq.s32 s5, $0x0;
	s5 =	sld [smem:$0x3FB3]  }
0x2b: {  	s6 =	sld [smem:$0x3FB4]  }
0x2c: {  	s7 =	sld [smem:$0x3FB5]  }
0x2d: {  	s3 =	simm.s32 $0x108;
	s8 =	sld [smem:$0x3FB6]  }
0x2e: {  	s3 =	simm.s32 @!p0 $0x1082;
	s9 =	sld [smem:$0x3FB7]  }
0x2f: {  	lr =	sadd.s32 s0, s3;
	s0 =	sld [smem:$0x3FAE]  }
0x30: {  	s3 =	sld [smem:$0x3FB1]  }
0x31: {  	[smem:$0x3FBA] =	sst s10  }
0x32: {  	s10 =	sld [smem:$0x3FB8];
	_ =	sdelay $0x3  }
0x33: {  	p0 =	seq.s32 s10, $0x1;
	s10 =	sld [smem:$0x3FBA];
	_ =	sdelay $0x3  }
0x34: {  	[smem:$0x3FBA] =	sst s10  }
0x35: {  	s10 =	sld [smem:$0x3FB9];
	_ =	sdelay $0x3  }
0x36: {  	p1 =	seq.s32 s10, $0x1;
	s10 =	sld [smem:$0x3FBA];
	_ =	sdelay $0x3  }
0x37: {  	[smem:$0x3FBA] =	sst s10  }
0x38: {  	s10 =	sld [smem:$0x3FBB]  }
0x39: {  	_ = 	snop;
	(pc) =	sbr.ind lr, $3  }
0x3a: {  	_ = 	snop  }
0x3b: {  	_ = 	snop  }
0x3c: {  	p2 =	seq.s32 s10, $0x1;
	s10 =	sld [smem:$0x3FBA]  }
0x3d: {  	_ =	shalt  }
0x3e: {  	_ =	shalt  }
0x3f: {  	_ =	shalt  }
0x40: {  	_ =	shalt  }
0x41: {  	_ =	shalt  }
0x42: {  	_ =	shalt  }
0x43: {  	_ =	shalt  }
0x44: {  	_ =	shalt  }
0x45: {  	_ =	shalt  }
0x46: {  	_ =	shalt  }
0x47: {  	_ =	shalt  }
0x48: {  	_ =	shalt  }
0x49: {  	_ =	shalt  }
0x4a: {  	_ =	shalt  }
0x4b: {  	_ =	shalt  }
0x4c: {  	_ =	shalt  }
0x4d: {  	_ =	shalt  }
0x4e: {  	_ =	shalt  }
0x4f: {  	_ =	shalt  }
0x50: {  	_ =	shalt  }
0x51: {  	_ =	shalt  }
0x52: {  	_ =	shalt  }
0x53: {  	_ =	shalt  }
0x54: {  	_ =	shalt  }
0x55: {  	_ =	shalt  }
0x56: {  	_ =	shalt  }
0x57: {  	_ =	shalt  }
0x58: {  	_ =	shalt  }
0x59: {  	_ =	shalt  }
0x5a: {  	_ =	shalt  }
0x5b: {  	_ =	shalt  }
0x5c: {  	_ =	shalt  }
0x5d: {  	_ =	shalt  }
0x5e: {  	_ =	shalt  }
0x5f: {  	_ =	shalt  }
0x60: {  	_ =	shalt  }
0x61: {  	_ =	shalt  }
0x62: {  	_ =	shalt  }
0x63: {  	_ =	shalt  }
0x64: {  	_ =	shalt  }
0x65: {  	_ =	shalt  }
0x66: {  	_ =	shalt  }
0x67: {  	_ =	shalt  }
0x68: {  	_ =	shalt  }
0x69: {  	_ =	shalt  }
0x6a: {  	_ =	shalt  }
0x6b: {  	_ =	shalt  }
0x6c: {  	_ =	shalt  }
0x6d: {  	_ =	shalt  }
0x6e: {  	_ =	shalt  }
0x6f: {  	_ =	shalt  }
0x70: {  	_ =	shalt  }
0x71: {  	_ =	shalt  }
0x72: {  	_ =	shalt  }
0x73: {  	_ =	shalt  }
0x74: {  	_ =	shalt  }
0x75: {  	_ =	shalt  }
0x76: {  	_ =	shalt  }
0x77: {  	_ =	shalt  }
0x78: {  	_ =	shalt  }
0x79: {  	_ =	shalt  }
0x7a: {  	_ =	shalt  }
0x7b: {  	_ =	shalt  }
0x7c: {  	_ =	shalt  }
0x7d: {  	_ =	shalt  }
0x7e: {  	_ =	shalt  }
0x7f: {  	_ =	shalt  }
0x80: {  	_ =	shalt  }
0x81: {  	_ =	shalt  }
0x82: {  	_ =	shalt  }
0x83: {  	_ =	shalt  }
0x84: {  	_ =	shalt  }
0x85: {  	_ =	shalt  }
0x86: {  	_ =	shalt  }
0x87: {  	_ =	shalt  }
.Lfunc_end0:
.L_simem_size_0:
called_computation_lowered:
.L_overlay_start_0:
0x88: {  	s2 =	sld [smem:$0x3FD9]  }
0x89: {  	s3 =	sld [smem:$0x3FFE];
	_ =	sdelay $0x1  }
0x8a: {  	s1 =	srdreg.scid  }
0x8b: {  	s0 =	sand.u32 $0x1, s1  }
0x8c: {  	s18 =	sshll.u32 s0, $0xA;
	s2 =	sadd.s32 s3, s2  }
0x8d: {  	s2 =	sadd.s32 s2, s18  }
0x8e: {  	[smem:$0x3FC6] =	sst s2  }
0x8f: {  	_ = 	snop  }
0x90: {  	s2 =	sld [smem:$0x3FC9]  }
0x91: {  	s19 =	sld [smem:$0x3FC8]  }
0x92: {  	s4 =	sld [smem:$0x3FD0];
	(tm) =	ssettm $0x1  }
0x93: {  	s5 =	sld [smem:$0x3FFB];
	_ =	sdelay $0x3  }
0x94: {  	_ =	strace s5  }
0x95: {  	s5 =	sld [smem:$0x3FFC];
	_ =	sdelay $0x3  }
0x96: {  	_ =	strace s5  }
0x97: {  	s5 =	sld [smem:$0x3FFD];
	_ =	sdelay $0x3  }
0x98: {  	_ =	strace s5  }
0x99: {  	_ =	strace $0x8FFFFFFF  }
0x9a: {  	s20 =	sld [smem:$0x3FDB];
	_ =	sdelay $0x1  }
0x9b: {  	s6 =	simm.s32 $_scs_section_size  }
0x9c: {  	s7 =	simm.s32 $_size__tile_overlayer_lowered;
	s8 =	simm.s32 $_tile_overlayer_lowered  }
0x9d: {  	s23 =	simm.s32 $0x1BFF;
	s22 =	sshll.u32 s8, $0x1;
	s5 =	sadd.s32 s6, s20  }
0x9e: {  	s9 =	simm.s32 $0x0;
	s21 =	sshll.u32 s7, $0x1;
	s7 =	sadd.s32 s22, s5  }
0x9f: {  	[timem:s9], [sflag:s23] =	dma.local [hbm:s7], s21  }
0xa0: {  	_ =	swait.ge [sflag:s23], s21  }
0xa1: {  	s6 =	ssub.s32 $0x0, s21;
	[sflag:s23] =	ssyncset.done $0x0  }
0xa2: {  	[sflag:s23] =	ssyncadd.s32 s6;
	_ =	sdelay $0x1  }
0xa3: {  	s24 =	simm.s32 $0x1B8B  }
0xa4: {  	_ =	swait.ge [sflag:s24], $0x1  }
0xa5: {  	[sflag:s24] =	ssyncset.done $0x0  }
0xa6: {  	s25 =	simm.s32 $0x1B8E;
	[sflag:s24] =	ssyncadd.s32 $0xFFFFFFFF  }
0xa7: {  	s26 =	simm.s32 $execute0_lowered;
	[smem:$0x3FD2] =	sst s25  }
0xa8: {  	s6 =	sshll.u32 s26, $0x1;
	_ =	strace $0x80000046;
	[dreg:$0x1] =	wrdreg $0xFFFFFFFF  }
0xa9: {  	s28 =	simm.s32 $_size_execute0_lowered;
	s5 =	sadd.s32 s5, s6;
	[dreg:$0x0] =	wrdreg $0x0  }
0xaa: {  	s6 =	sshll.u32 s28, $0x1;
	[dreg:$0x2] =	wrdreg s5  }
0xab: {  	[dreg:$0x3] =	wrdreg s6  }
0xac: {  	[dreg:$0x4] =	wrdreg $0xC0  }
0xad: {  	_ =	task [dreg:s9], $0x5FFFF  }
0xae: {  	[dreg:$0x1] =	wrdreg $0xFFFFFFFF  }
0xaf: {  	[dreg:$0x0] =	wrdreg $0x60  }
0xb0: {  	[dreg:$0x2] =	wrdreg s2  }
0xb1: {  	[dreg:$0x3] =	wrdreg s19  }
0xb2: {  	[dreg:$0x4] =	wrdreg s4  }
0xb3: {  	[dreg:$0x5] =	wrdreg $0x9  }
0xb4: {  	_ =	task.clear_ibuf [dreg:s9], $0x6FFFF;
	_ =	strace $0x90000046  }
0xb5: {  	s29 =	simm.s32 $0x9;
	_ =	strace $0x80000048  }
0xb6: {  	_ =	swait.ge [sflag:s29], $0x1  }
0xb7: {  	[sflag:s29] =	ssyncadd.s32 $0xFFFFFFFF  }
0xb8: {  	_ =	strace $0x90000048  }
0xb9: {  	_ =	sfence  }
0xba: {  	s30 =	sld [smem:$0x0];
	_ =	sdelay $0x2  }
0xbb: {  	s31 =	sshll.u32 s1, $0xD;
	s1 =	sshrl.u32 s1, $0x2  }
0xbc: {  	s3 =	sand.u32 $0x4000, s31;
	s1 =	sadd.s32 s1, s30  }
0xbd: {  	s0 =	sor.u32 s3, s0;
	s1 =	sshll.u32 s1, $0x11  }
0xbe: {  	s0 =	sor.u32 s1, s0  }
0xbf: {  	s0 =	sadd.s32 $0x8F2B, s0  }
0xc0: {  	[sflag:s0] =	ssyncadd.remote.s32 $0x1  }
0xc1: {  	_ =	sfence.sel $0xFFFF  }
0xc2: {  	[dreg:$0x0] =	wrdreg $0xFFFFFFFF;
	(pc) =	sbr.abs _section_cstart, $3  }
0xc3: {  	[dreg:$0x1] =	wrdreg $0xFFFFFFFF  }
0xc4: {  	_ =	task.clear_ibuf [dreg:s9], $0x2FFFF;
	_ =	strace $0x9FFFFFFF  }
0xc5: {  	(tm) =	ssettm $0x7FFFFFFF  }
tec
execute0_lowered:
.L_overlay_start_1:
0x0: {  	(tag) =	ssettag $0x1  }
0x1: {  	s1 =	rddreg [dreg:$0x0]  }
0x2: {  	s0 =	rddreg [dreg:$0x2];
	s4 =	simm.s32 $0x0;
	s2 =	srdreg.scid  }
0x3: {  	s20 =	stileid.u32;
	s8 =	simm.s32 $0xC0;
	s6 =	simm.s32 $0x1  }
0x4: {  	s28 =	simm.s32 $0x280;
	s29 =	simm.s32 $0xF280;
	s30 =	simm.s32 $0xFA80  }
0x5: {  	s31 =	simm.s32 $0x2;
	[smem:$0x7FF] =	sst s4;
	s2 =	sand.u32 $0x1, s2  }
0x6: {  	s3 =	sshll.u32 s20, $0x1;
	s9 =	sadd.s32 $0x200, s1;
	s10 =	sadd.s32 $0x300, s1  }
0x7: {  	s11 =	sadd.s32 $0x400, s1;
	s12 =	sadd.s32 $0x500, s1;
	s25 =	smul.u32 $0x180000, s20  }
0x8: {  	s13 =	sadd.s32 $0x600, s1;
	s14 =	sadd.s32 $0x700, s1;
	s15 =	sadd.s32 $0x800, s1  }
0x9: {  	s16 =	sadd.s32 $0x900, s1;
	s17 =	sadd.s32 $0xA00, s1;
	s18 =	sadd.s32 $0xB00, s1  }
0xa: {  	s21 =	smul.u32 $0x30000, s20;
	s22 =	sadd.s32 $0xE00, s1;
	_ =	strace $0x80000047  }
0xb: {  	s3 =	sor.u32 s2, s3;
	s5 =	ssub.s32 $0x2, s2;
	s19 =	smul.u32 $0xC0000, s2  }
0xc: {  	p1 =	seq.s32 s2, $0x1;
	s2 =	smul.u32 $0x18000, s2;
	p0 =	seq.s32 s3, $0x0  }
0xd: {  	s23 =	sshrl.u32 s5, $0x1;
	s8 =	simm.s32 @!p1 $0x0;
	p0 =	por !p0, !p1  }
0xe: {  	s3 =	ssub.s32 s5, s23;
	s24 =	sadd.s32 $0x80, s8;
	[dreg:$0x4] =	wrdreg s8  }
0xf: {  	s8 =	sand.u32 $0x40, s8;
	s23 =	simm.s32 $0x0;
	p0 =	por !p0, !p0  }
0x10: {  	s5 =	sand.u32 $0x180, s24;
	s26 =	smax.u32 s3, $0x1;
	s6 =	simm.s32 @!p0 $0x0  }
0x11: {  	s5 =	sor.u32 s8, s5;
	s8 =	sadd.s32 $0x100, s1;
	[dreg:$0x6] =	wrdreg s26  }
0x12: {  	s26 =	simm.s32 $0xE280;
	s7 =	ssub.s32 s20, s6;
	s6 =	simm.s32 $0x1  }
.Ltmp0:
0x13: {  	[dreg:$0x5] =	wrdreg s5;
	s5 =	sadd.s32 s19, s25;
	(pc) =	sbr.rel .LBB2_1-.Ltmp0, $4  }
0x14: {  	s19 =	sadd.s32 $0xC00, s1;
	s25 =	sadd.s32 $0xF00, s1;
	s5 =	sshrl.u32 s5, $0x3  }
0x15: {  	v1 =	vlaneseq.u32;
	s7 =	smul.u32 $0x180, s7;
	s20 =	sadd.s32 s5, s0;
	s0 =	sadd.s32 s21, s0  }
0x16: {  	vm0 =	vmmov $0xffff;
	v2 =	vshrl.u32 v1, $0x3;
	s21 =	sadd.s32 $0xD00, s1;
	s5 =	simm.s32 $0xEA80;
	s0 =	sadd.s32 s2, s0  }
0x17: {  	v1 =	vand.u32 $0x7, v1;
	v2 =	vmul.u32 $0x8, v2;
	s2 =	simm.s32 $0x8280;
	v0 =	vmov s7;
	s24 =	sadd.s32 $0x1000, s0;
	s0 =	simm.s32 $0x3  }
.LBB2_4:
0x18: {  	s7 =	simm.s32 $0x4  }
0x19: {  	_ =	swait.ge [sflag:s7], $0x8000  }
0x1a: {  	s23 =	rddreg [dreg:$0x7]  }
0x1b: {  	s3 =	rddreg [dreg:$0x6];
	s23 =	sadd.s32 $0x1, s23  }
0x1c: {  	p0 =	sne.s32 s23, s3  }
.Ltmp1:
0x1d: {  	_ = 	snop;
	(pc) =	sbr.rel @!p0 .LBB2_5-.Ltmp1, $3  }
0x1e: {  	_ =	sdelay $0x1  }
0x1f: {  	[sflag:s7] =	ssyncset.done $0x0  }
0x20: {  	[sflag:s7] =	ssyncadd.s32 $0xFFFF8000  }
.LBB2_1:
0x21: {  	[dreg:$0x7] =	wrdreg s23  }
0x22: {  	s3 =	rddreg [dreg:$0x1];
	s7 =	simm.s32 $0x5  }
0x23: {  	[tilespmem:s4], [sflag:$0x5] =	stream.linear.gather [hbm4b:s3+s4], $0x180, $0x38;
	[tilespmem:$0x10280] =	vst v63  }
0x24: {  	_ =	swait.ge [sflag:s7], $0x180  }
0x25: {  	[sflag:s7] =	ssyncset.done $0x0  }
0x26: {  	s23 =	rddreg [dreg:$0x4];
	[sflag:s7] =	ssyncadd.s32 $0xFFFFFE80  }
0x27: {  	v3 =	vld [tilespmem:s23+$0x0];
	_ =	sdelay $0x4  }
0x28: {  	v3 =	vadd.s32 v0, v3  }
0x29: {  	[tilespmem:$0x180] =	vst v3  }
0x2a: {  	v3 =	vld [tilespmem:s23+$0x10];
	_ =	sdelay $0x4  }
0x2b: {  	v3 =	vadd.s32 v0, v3  }
0x2c: {  	[tilespmem:$0x190] =	vst v3  }
0x2d: {  	v3 =	vld [tilespmem:s23+$0x20];
	_ =	sdelay $0x4  }
0x2e: {  	v3 =	vadd.s32 v0, v3  }
0x2f: {  	[tilespmem:$0x1A0] =	vst v3  }
0x30: {  	v3 =	vld [tilespmem:s23+$0x30];
	_ =	sdelay $0x4  }
0x31: {  	v3 =	vadd.s32 v0, v3  }
0x32: {  	[tilespmem:$0x1B0] =	vst v3  }
0x33: {  	v3 =	vld [tilespmem:s23+$0x40];
	_ =	sdelay $0x4  }
0x34: {  	v3 =	vadd.s32 v0, v3  }
0x35: {  	[tilespmem:$0x1C0] =	vst v3  }
0x36: {  	v3 =	vld [tilespmem:s23+$0x50];
	_ =	sdelay $0x4  }
0x37: {  	v3 =	vadd.s32 v0, v3  }
0x38: {  	[tilespmem:$0x1D0] =	vst v3  }
0x39: {  	v3 =	vld [tilespmem:s23+$0x60];
	_ =	sdelay $0x4  }
0x3a: {  	v3 =	vadd.s32 v0, v3  }
0x3b: {  	[tilespmem:$0x1E0] =	vst v3  }
0x3c: {  	v3 =	vld [tilespmem:s23+$0x70];
	_ =	sdelay $0x4  }
0x3d: {  	v3 =	vadd.s32 v0, v3  }
0x3e: {  	s7 =	rddreg [dreg:$0x5];
	[tilespmem:$0x1F0] =	vst v3  }
0x3f: {  	v3 =	vld [tilespmem:s7+$0x0];
	_ =	sdelay $0x4  }
0x40: {  	v3 =	vadd.s32 v0, v3  }
0x41: {  	[tilespmem:$0x200] =	vst v3  }
0x42: {  	v3 =	vld [tilespmem:s23+$0x90];
	_ =	sdelay $0x4  }
0x43: {  	v3 =	vadd.s32 v0, v3  }
0x44: {  	[tilespmem:$0x210] =	vst v3;
	v3 =	vld.msk [tilespmem:$0x180], $0xff  }
0x45: {  	v4 =	vld [tilespmem:s23+$0xA0];
	_ =	sdelay $0x3  }
0x46: {  	v5 =	vshll.u32 v3, $0x5  }
0x47: {  	v3 =	vand.u32 $0x7, v3;
	v4 =	vadd.s32 v0, v4;
	v5 =	vand.u32 $0xFFFFFF00, v5  }
0x48: {  	[tilespmem:$0x220] =	vst v4;
	v3 =	vor.u32 v3, v5  }
0x49: {  	v4 =	vld [tilespmem:s23+$0xB0];
	v3 =	vperm.xlane v3, v1;
	_ =	sdelay $0x1  }
0x4a: {  	v3 =	vadd.s32 v2, v3;
	_ =	sdelay $0x2  }
0x4b: {  	v4 =	vadd.s32 v0, v4  }
0x4c: {  	[tilespmem:$0x230] =	vst v4  }
0x4d: {  	[tilespmem:s28], [sflag:$0x1] =	stream.indirect_vreg.gather [hbm4b:s1+s4], $0x80, v3, vm0, $0xb8;
	[tilespmem:$0x10280] =	vst v63  }
0x4e: {  	s23 =	simm.s32 $0xA80  }
0x4f: {  	[tilespmem:s23], [sflag:$0x1] =	stream.indirect_vreg.gather [hbm4b:s8+s4], $0x80, v3, vm0, $0xb8;
	[tilespmem:$0x10280] =	vst v63  }
0x50: {  	s7 =	simm.s32 $0x1280  }
0x51: {  	[tilespmem:s7], [sflag:$0x1] =	stream.indirect_vreg.gather [hbm4b:s9+s4], $0x80, v3, vm0, $0xb8;
	[tilespmem:$0x10280] =	vst v63  }
0x52: {  	s23 =	simm.s32 $0x1A80  }
0x53: {  	[tilespmem:s23], [sflag:$0x1] =	stream.indirect_vreg.gather [hbm4b:s10+s4], $0x80, v3, vm0, $0xb8;
	[tilespmem:$0x10280] =	vst v63  }
0x54: {  	s7 =	simm.s32 $0x2280  }
0x55: {  	[tilespmem:s7], [sflag:$0x1] =	stream.indirect_vreg.gather [hbm4b:s11+s4], $0x80, v3, vm0, $0xb8;
	[tilespmem:$0x10280] =	vst v63  }
0x56: {  	s23 =	simm.s32 $0x2A80  }
0x57: {  	[tilespmem:s23], [sflag:$0x1] =	stream.indirect_vreg.gather [hbm4b:s12+s4], $0x80, v3, vm0, $0xb8;
	[tilespmem:$0x10280] =	vst v63  }
0x58: {  	s7 =	simm.s32 $0x3280  }
0x59: {  	[tilespmem:s7], [sflag:$0x1] =	stream.indirect_vreg.gather [hbm4b:s13+s4], $0x80, v3, vm0, $0xb8;
	[tilespmem:$0x10280] =	vst v63  }
0x5a: {  	s23 =	simm.s32 $0x3A80  }
0x5b: {  	[tilespmem:s23], [sflag:$0x1] =	stream.indirect_vreg.gather [hbm4b:s14+s4], $0x80, v3, vm0, $0xb8;
	[tilespmem:$0x10280] =	vst v63  }
0x5c: {  	s7 =	simm.s32 $0x4280  }
0x5d: {  	[tilespmem:s7], [sflag:$0x1] =	stream.indirect_vreg.gather [hbm4b:s15+s4], $0x80, v3, vm0, $0xb8;
	[tilespmem:$0x10280] =	vst v63  }
0x5e: {  	s23 =	simm.s32 $0x4A80  }
0x5f: {  	[tilespmem:s23], [sflag:$0x1] =	stream.indirect_vreg.gather [hbm4b:s16+s4], $0x80, v3, vm0, $0xb8;
	[tilespmem:$0x10280] =	vst v63  }
0x60: {  	s7 =	simm.s32 $0x5280  }
0x61: {  	[tilespmem:s7], [sflag:$0x1] =	stream.indirect_vreg.gather [hbm4b:s17+s4], $0x80, v3, vm0, $0xb8;
	[tilespmem:$0x10280] =	vst v63  }
0x62: {  	s23 =	simm.s32 $0x5A80  }
0x63: {  	[tilespmem:s23], [sflag:$0x1] =	stream.indirect_vreg.gather [hbm4b:s18+s4], $0x80, v3, vm0, $0xb8;
	[tilespmem:$0x10280] =	vst v63  }
0x64: {  	s7 =	simm.s32 $0x6280  }
0x65: {  	[tilespmem:s7], [sflag:$0x1] =	stream.indirect_vreg.gather [hbm4b:s19+s4], $0x80, v3, vm0, $0xb8;
	[tilespmem:$0x10280] =	vst v63  }
0x66: {  	s23 =	simm.s32 $0x6A80  }
0x67: {  	[tilespmem:s23], [sflag:$0x1] =	stream.indirect_vreg.gather [hbm4b:s21+s4], $0x80, v3, vm0, $0xb8;
	[tilespmem:$0x10280] =	vst v63  }
0x68: {  	s7 =	simm.s32 $0x7280  }
0x69: {  	[tilespmem:s7], [sflag:$0x1] =	stream.indirect_vreg.gather [hbm4b:s22+s4], $0x80, v3, vm0, $0xb8;
	[tilespmem:$0x10280] =	vst v63  }
0x6a: {  	s3 =	simm.s32 $0x190;
	s23 =	simm.s32 $0x7A80;
	s7 =	simm.s32 $0x0  }
0x6b: {  	[tilespmem:s23], [sflag:$0x1] =	stream.indirect_vreg.gather [hbm4b:s25+s4], $0x80, v3, vm0, $0xb8;
	[tilespmem:$0x10280] =	vst v63  }
.LBB2_2:
0x6c: {  	_ =	swait.ge [sflag:s6], $0x8000  }
0x6d: {  	p0 =	seq.s32 s7, $0x0;
	[sflag:s6] =	ssyncset.done $0x0  }
0x6e: {  	s23 =	simm.s32 @!p0 $0x4;
	[sflag:s6] =	ssyncadd.s32 $0xFFFF8000  }
0x6f: {  	_ =	swait.ge @!p0 [sflag:s23], $0x8000  }
0x70: {  	[sflag:s23] =	ssyncset.done @!p0 $0x0  }
0x71: {  	[sflag:s23] =	ssyncadd.s32 @!p0 $0xFFFF8000;
	s23 =	sadd.s32 s7, s20  }
0x72: {  	[hbm4b:s23+s4] =	stream.linear.scatter [tilespmem:s28], [sflag:$0x3], $0x8000, $0x38;
	[tilespmem:$0x10280] =	vst v63  }
0x73: {  	v3 =	vld.msk [tilespmem:s3+$0xFFFFFFF8], $0xff;
	_ =	sdelay $0x4  }
0x74: {  	v4 =	vshll.u32 v3, $0x5  }
0x75: {  	v3 =	vand.u32 $0x7, v3;
	v4 =	vand.u32 $0xFFFFFF00, v4  }
0x76: {  	v3 =	vor.u32 v3, v4  }
0x77: {  	v3 =	vperm.xlane v3, v1;
	_ =	sdelay $0x1  }
0x78: {  	v3 =	vadd.s32 v2, v3;
	_ =	sdelay $0x4  }
0x79: {  	[tilespmem:s2], [sflag:$0x2] =	stream.indirect_vreg.gather [hbm4b:s1+s4], $0x80, v3, vm0, $0xb8;
	[tilespmem:$0x10280] =	vst v63  }
0x7a: {  	s23 =	simm.s32 $0x8A80  }
0x7b: {  	[tilespmem:s23], [sflag:$0x2] =	stream.indirect_vreg.gather [hbm4b:s8+s4], $0x80, v3, vm0, $0xb8;
	[tilespmem:$0x10280] =	vst v63  }
0x7c: {  	s23 =	simm.s32 $0x9280  }
0x7d: {  	[tilespmem:s23], [sflag:$0x2] =	stream.indirect_vreg.gather [hbm4b:s9+s4], $0x80, v3, vm0, $0xb8;
	[tilespmem:$0x10280] =	vst v63  }
0x7e: {  	s23 =	simm.s32 $0x9A80  }
0x7f: {  	[tilespmem:s23], [sflag:$0x2] =	stream.indirect_vreg.gather [hbm4b:s10+s4], $0x80, v3, vm0, $0xb8;
	[tilespmem:$0x10280] =	vst v63  }
0x80: {  	s23 =	simm.s32 $0xA280  }
0x81: {  	[tilespmem:s23], [sflag:$0x2] =	stream.indirect_vreg.gather [hbm4b:s11+s4], $0x80, v3, vm0, $0xb8;
	[tilespmem:$0x10280] =	vst v63  }
0x82: {  	s23 =	simm.s32 $0xAA80  }
0x83: {  	[tilespmem:s23], [sflag:$0x2] =	stream.indirect_vreg.gather [hbm4b:s12+s4], $0x80, v3, vm0, $0xb8;
	[tilespmem:$0x10280] =	vst v63  }
0x84: {  	s23 =	simm.s32 $0xB280  }
0x85: {  	[tilespmem:s23], [sflag:$0x2] =	stream.indirect_vreg.gather [hbm4b:s13+s4], $0x80, v3, vm0, $0xb8;
	[tilespmem:$0x10280] =	vst v63  }
0x86: {  	s23 =	simm.s32 $0xBA80  }
0x87: {  	[tilespmem:s23], [sflag:$0x2] =	stream.indirect_vreg.gather [hbm4b:s14+s4], $0x80, v3, vm0, $0xb8;
	[tilespmem:$0x10280] =	vst v63  }
0x88: {  	s23 =	simm.s32 $0xC280  }
0x89: {  	[tilespmem:s23], [sflag:$0x2] =	stream.indirect_vreg.gather [hbm4b:s15+s4], $0x80, v3, vm0, $0xb8;
	[tilespmem:$0x10280] =	vst v63  }
0x8a: {  	s23 =	simm.s32 $0xCA80  }
0x8b: {  	[tilespmem:s23], [sflag:$0x2] =	stream.indirect_vreg.gather [hbm4b:s16+s4], $0x80, v3, vm0, $0xb8;
	[tilespmem:$0x10280] =	vst v63  }
0x8c: {  	s23 =	simm.s32 $0xD280  }
0x8d: {  	[tilespmem:s23], [sflag:$0x2] =	stream.indirect_vreg.gather [hbm4b:s17+s4], $0x80, v3, vm0, $0xb8;
	[tilespmem:$0x10280] =	vst v63  }
0x8e: {  	s23 =	simm.s32 $0xDA80  }
0x8f: {  	[tilespmem:s23], [sflag:$0x2] =	stream.indirect_vreg.gather [hbm4b:s18+s4], $0x80, v3, vm0, $0xb8;
	[tilespmem:$0x10280] =	vst v63  }
0x90: {  	_ = 	snop  }
0x91: {  	[tilespmem:s26], [sflag:$0x2] =	stream.indirect_vreg.gather [hbm4b:s19+s4], $0x80, v3, vm0, $0xb8;
	[tilespmem:$0x10280] =	vst v63  }
0x92: {  	_ = 	snop  }
0x93: {  	[tilespmem:s5], [sflag:$0x2] =	stream.indirect_vreg.gather [hbm4b:s21+s4], $0x80, v3, vm0, $0xb8;
	[tilespmem:$0x10280] =	vst v63  }
0x94: {  	_ = 	snop  }
0x95: {  	[tilespmem:s29], [sflag:$0x2] =	stream.indirect_vreg.gather [hbm4b:s22+s4], $0x80, v3, vm0, $0xb8;
	[tilespmem:$0x10280] =	vst v63  }
0x96: {  	_ = 	snop  }
0x97: {  	[tilespmem:s30], [sflag:$0x2] =	stream.indirect_vreg.gather [hbm4b:s25+s4], $0x80, v3, vm0, $0xb8;
	[tilespmem:$0x10280] =	vst v63  }
0x98: {  	_ =	swait.ge [sflag:s31], $0x8000  }
0x99: {  	p0 =	seq.s32 s7, $0x16000;
	[sflag:s31] =	ssyncset.done $0x0  }
.Ltmp2:
0x9a: {  	[sflag:s31] =	ssyncadd.s32 $0xFFFF8000;
	(pc) =	sbr.rel @p0 .LBB2_4-.Ltmp2, $4  }
0x9b: {  	_ =	swait.ge [sflag:s0], $0x8000  }
0x9c: {  	[sflag:s0] =	ssyncset.done $0x0  }
0x9d: {  	s23 =	sadd.s32 s7, s24;
	[sflag:s0] =	ssyncadd.s32 $0xFFFF8000  }
0x9e: {  	[hbm4b:s23+s4] =	stream.linear.scatter [tilespmem:s2], [sflag:$0x4], $0x8000, $0x38;
	[tilespmem:$0x10280] =	vst v63  }
0x9f: {  	v3 =	vld.msk [tilespmem:s3+$0x0], $0xff;
	_ =	sdelay $0x4  }
0xa0: {  	v4 =	vshll.u32 v3, $0x5  }
0xa1: {  	v3 =	vand.u32 $0x7, v3;
	v4 =	vand.u32 $0xFFFFFF00, v4  }
0xa2: {  	v3 =	vor.u32 v3, v4  }
0xa3: {  	v3 =	vperm.xlane v3, v1;
	_ =	sdelay $0x1  }
0xa4: {  	v3 =	vadd.s32 v2, v3;
	_ =	sdelay $0x4  }
0xa5: {  	[tilespmem:s28], [sflag:$0x1] =	stream.indirect_vreg.gather [hbm4b:s1+s4], $0x80, v3, vm0, $0xb8;
	[tilespmem:$0x10280] =	vst v63  }
0xa6: {  	s23 =	simm.s32 $0xA80  }
0xa7: {  	[tilespmem:s23], [sflag:$0x1] =	stream.indirect_vreg.gather [hbm4b:s8+s4], $0x80, v3, vm0, $0xb8;
	[tilespmem:$0x10280] =	vst v63  }
0xa8: {  	s23 =	simm.s32 $0x1280  }
0xa9: {  	[tilespmem:s23], [sflag:$0x1] =	stream.indirect_vreg.gather [hbm4b:s9+s4], $0x80, v3, vm0, $0xb8;
	[tilespmem:$0x10280] =	vst v63  }
0xaa: {  	s23 =	simm.s32 $0x1A80  }
0xab: {  	[tilespmem:s23], [sflag:$0x1] =	stream.indirect_vreg.gather [hbm4b:s10+s4], $0x80, v3, vm0, $0xb8;
	[tilespmem:$0x10280] =	vst v63  }
0xac: {  	s23 =	simm.s32 $0x2280  }
0xad: {  	[tilespmem:s23], [sflag:$0x1] =	stream.indirect_vreg.gather [hbm4b:s11+s4], $0x80, v3, vm0, $0xb8;
	[tilespmem:$0x10280] =	vst v63  }
0xae: {  	s23 =	simm.s32 $0x2A80  }
0xaf: {  	[tilespmem:s23], [sflag:$0x1] =	stream.indirect_vreg.gather [hbm4b:s12+s4], $0x80, v3, vm0, $0xb8;
	[tilespmem:$0x10280] =	vst v63  }
0xb0: {  	s23 =	simm.s32 $0x3280  }
0xb1: {  	[tilespmem:s23], [sflag:$0x1] =	stream.indirect_vreg.gather [hbm4b:s13+s4], $0x80, v3, vm0, $0xb8;
	[tilespmem:$0x10280] =	vst v63  }
0xb2: {  	s23 =	simm.s32 $0x3A80  }
0xb3: {  	[tilespmem:s23], [sflag:$0x1] =	stream.indirect_vreg.gather [hbm4b:s14+s4], $0x80, v3, vm0, $0xb8;
	[tilespmem:$0x10280] =	vst v63  }
0xb4: {  	s23 =	simm.s32 $0x4280  }
0xb5: {  	[tilespmem:s23], [sflag:$0x1] =	stream.indirect_vreg.gather [hbm4b:s15+s4], $0x80, v3, vm0, $0xb8;
	[tilespmem:$0x10280] =	vst v63  }
0xb6: {  	s23 =	simm.s32 $0x4A80  }
0xb7: {  	[tilespmem:s23], [sflag:$0x1] =	stream.indirect_vreg.gather [hbm4b:s16+s4], $0x80, v3, vm0, $0xb8;
	[tilespmem:$0x10280] =	vst v63  }
0xb8: {  	s23 =	simm.s32 $0x5280  }
0xb9: {  	[tilespmem:s23], [sflag:$0x1] =	stream.indirect_vreg.gather [hbm4b:s17+s4], $0x80, v3, vm0, $0xb8;
	[tilespmem:$0x10280] =	vst v63  }
0xba: {  	s23 =	simm.s32 $0x5A80  }
0xbb: {  	[tilespmem:s23], [sflag:$0x1] =	stream.indirect_vreg.gather [hbm4b:s18+s4], $0x80, v3, vm0, $0xb8;
	[tilespmem:$0x10280] =	vst v63  }
0xbc: {  	s23 =	simm.s32 $0x6280  }
0xbd: {  	[tilespmem:s23], [sflag:$0x1] =	stream.indirect_vreg.gather [hbm4b:s19+s4], $0x80, v3, vm0, $0xb8;
	[tilespmem:$0x10280] =	vst v63  }
0xbe: {  	s23 =	simm.s32 $0x6A80  }
0xbf: {  	[tilespmem:s23], [sflag:$0x1] =	stream.indirect_vreg.gather [hbm4b:s21+s4], $0x80, v3, vm0, $0xb8;
	[tilespmem:$0x10280] =	vst v63  }
.Ltmp3:
0xc0: {  	_ = 	snop;
	(pc) =	sbr.rel .LBB2_2-.Ltmp3, $4  }
0xc1: {  	s23 =	simm.s32 $0x7280  }
0xc2: {  	[tilespmem:s23], [sflag:$0x1] =	stream.indirect_vreg.gather [hbm4b:s22+s4], $0x80, v3, vm0, $0xb8;
	[tilespmem:$0x10280] =	vst v63  }
0xc3: {  	s7 =	sadd.s32 $0x2000, s7;
	s3 =	sadd.s32 $0x10, s3;
	s23 =	simm.s32 $0x7A80  }
0xc4: {  	[tilespmem:s23], [sflag:$0x1] =	stream.indirect_vreg.gather [hbm4b:s25+s4], $0x80, v3, vm0, $0xb8;
	[tilespmem:$0x10280] =	vst v63  }
.LBB2_5:
0xc5: {  	_ =	sfence.sel $0x180000  }
0xc6: {  	[bflag:$0x0] =	sbarrier.arrive $0xFFFF  }
0xc7: {  	_ =	strace $0x90000047  }
0xc8: {  	s0 =	stileid.u32;
	[bflag:$0x2] =	sbarrier.arrive $0xFFFF  }
0xc9: {  	p0 =	sne.s32 s0, $0x0;
	s0 =	rddreg [dreg:$0x3]  }
0xca: {  	s0 =	sadd.s32 @!p0 $0x100000, s0  }
0xcb: {  	[sflag:s0] =	ssyncadd.tile.s32 @!p0 $0x1;
	_ =	shalt  }
.Lfunc_end2:
_tile_overlayer_lowered:
.L_overlay_start_2:
0xcc: {  	(tag) =	ssettag $0x2  }
0xcd: {  	s0 =	rddreg [dreg:$0x0];
	s2 =	stileid.u32  }
0xce: {  	s1 =	rddreg [dreg:$0x1];
	p0 =	sne.s32 s2, $0x0  }
0xcf: {  	s3 =	rddreg [dreg:$0x2];
	[bflag:$0x3] =	sbarrier.arrive $0xFFFF;
	s2 =	simm.s32 @!p0 $0x1C05  }
0xd0: {  	[timem:s3], [sflag:s2] =	dma.local @!p0 [hbm:s0], s1  }
0xd1: {  	s0 =	simm.s32 @!p0 $0x5  }
0xd2: {  	_ =	swait.ge @!p0 [sflag:s0], s1  }
0xd3: {  	s1 =	ssub.s32 @!p0 $0x0, s1;
	[sflag:s0] =	ssyncset.done @!p0 $0x0  }
0xd4: {  	[sflag:s0] =	ssyncadd.s32 @!p0 s1  }
0xd5: {  	[bflag:$0x3] =	sbarrier.arrive $0xFFFF  }
0xd6: {  	_ =	shalt  }

</sc_bundles>
